<compile_context>
chip_gen: v7x
topology: tpu7x:2x2x1
jax: 0.10.2.dev20260603
libtpu: 0.0.44.dev20260713+nightly
codegen_flags: <defaults>
</compile_context>

<pallas_src>
import functools

import jax
import jax.numpy as jnp
from jax import lax
from jax.experimental import pallas as pl
from jax.experimental.pallas import tpu as pltpu
from jax.experimental.pallas import tpu_sc as plsc

VOCAB = 32000
HIDDEN = 2048
BATCH = 2
SEQ = 4096
B = BATCH * SEQ
NC, NS = 2, 16
NW = NC * NS
BPW = B // NW
TPB = NW // BATCH
CHUNK = 16
NCHUNK = BPW // CHUNK
NGROUP = NCHUNK // 2


def _build_gather():
    mesh = plsc.VectorSubcoreMesh(core_axis_name="c", subcore_axis_name="s")

    @functools.partial(
        pl.kernel,
        mesh=mesh,
        out_type=jax.ShapeDtypeStruct((BATCH, SEQ, HIDDEN), jnp.float32),
        scratch_types=[
            pltpu.VMEM((BPW,), jnp.int32),
            pltpu.VMEM((CHUNK, HIDDEN), jnp.float32),
            pltpu.VMEM((CHUNK, HIDDEN), jnp.float32),
            pltpu.SemaphoreType.DMA,
            pltpu.SemaphoreType.DMA,
            pltpu.SemaphoreType.DMA,
            pltpu.SemaphoreType.DMA,
        ],
    )
    def gather_kernel(ids_hbm, table_hbm, out_hbm,
                      idx_v, buf0, buf1, g0, g1, p0, p1):
        wid = lax.axis_index("s") * NC + lax.axis_index("c")
        bidx = wid // TPB
        row0 = (wid % TPB) * BPW
        pltpu.sync_copy(ids_hbm.at[bidx, pl.ds(row0, BPW)], idx_v)

        bufs = (buf0, buf1)
        gsems = (g0, g1)
        psems = (p0, p1)

        def start_gather(j, b):
            cp = pltpu.make_async_copy(
                table_hbm.at[idx_v.at[pl.ds(j * CHUNK, CHUNK)]],
                bufs[b], gsems[b])
            cp.start()
            return cp

        def start_put(j, b):
            cp = pltpu.make_async_copy(
                bufs[b], out_hbm.at[bidx, pl.ds(row0 + j * CHUNK, CHUNK)],
                psems[b])
            cp.start()
            return cp

        start_gather(0, 0)
        start_gather(1, 1)
        pltpu.make_async_copy(table_hbm.at[idx_v.at[pl.ds(0, CHUNK)]],
                              buf0, gsems[0]).wait()
        start_put(0, 0)

        def group(g, carry):
            j0 = g * 2
            for b in (0, 1):
                j = j0 + b
                pltpu.make_async_copy(
                    bufs[b], out_hbm.at[bidx, pl.ds(row0, CHUNK)],
                    psems[b]).wait()
                start_gather(j, b)
                q = 1 - b
                pltpu.make_async_copy(
                    table_hbm.at[idx_v.at[pl.ds(0, CHUNK)]],
                    bufs[q], gsems[q]).wait()
                start_put(j - 1, q)
            return carry

        lax.fori_loop(1, NGROUP, group, 0)

        last = (NCHUNK - 1) % 2
        pltpu.make_async_copy(table_hbm.at[idx_v.at[pl.ds(0, CHUNK)]],
                              bufs[last], gsems[last]).wait()
        start_put(NCHUNK - 1, last)
        for b in (0, 1):
            pltpu.make_async_copy(
                bufs[b], out_hbm.at[bidx, pl.ds(row0, CHUNK)],
                psems[b]).wait()

    return gather_kernel


_gather = _build_gather()


def kernel(input_ids, cu_seq_lens, cu_batch_size, embed_table):
    hidden = _gather(input_ids.astype(jnp.int32), embed_table)
    return hidden, cu_seq_lens, cu_batch_size

# --- scband reference (transcript-rebuilt; emitter-appended) ---
"""Pipeline reference for scband-llama-input-layer-packing-85504208929476 (READ-ONLY COPY).

The authoritative reference and input builder live on the scoring server;
editing this copy changes nothing except your own understanding.
"""

import jax, jax.numpy as jnp
import numpy as np

VOCAB = 32000
HIDDEN = 2048
BATCH = 2
SEQ = 4096

def setup_inputs(seed: int = 0) -> dict:
    key = jax.random.key(seed)
    k_ids, k_tab, k_cu = jax.random.split(key, 3)
    input_ids = jax.random.randint(k_ids, (BATCH, SEQ), 0, VOCAB, dtype=jnp.int64) if jax.config.jax_enable_x64 else jax.random.randint(k_ids, (BATCH, SEQ), 0, VOCAB, dtype=jnp.int32)
    cu_seq_lens = jnp.sort(jax.random.randint(k_cu, (5,), 0, 8192, dtype=jnp.int32))
    cu_batch_size = jnp.ones((1,), dtype=jnp.int32)
    # learned word embedding table (init_method ~ normal(0, 0.02) like Llama/GPT-NeoX)
    embed_table = jax.random.normal(k_tab, (VOCAB, HIDDEN), dtype=jnp.float32) * 0.02
    return {"input_ids": input_ids, "cu_seq_lens": cu_seq_lens, "cu_batch_size": cu_batch_size, "embed_table": embed_table}

def reference(input_ids, cu_seq_lens, cu_batch_size, embed_table):
    # Embedding lookup (word embeddings only; position_ids=None so no positional
    # embedding is added in the packing path; hidden_dropout=0.0 -> identity).
    hidden_states = jnp.take(embed_table, input_ids, axis=0)
    return (hidden_states, cu_seq_lens, cu_batch_size)

if __name__ == "__main__":
    import jax
    _d = setup_inputs()
    print(jax.jit(kernel)(*tuple(_d.values())))

</pallas_src>

<mosaic_0001>
#map = affine_map<(d0, d1) -> (0, 0)>
#map1 = affine_map<(d0, d1) -> (0, 0, 0)>
module attributes {stable_mosaic.version = 14 : i64} {
  func.func @gather_kernel(%arg0: i32, %arg1: i32, %arg2: memref<2x4096xi32, #tpu.memory_space<hbm>>, %arg3: memref<32000x2048xf32, #tpu.memory_space<hbm>>, %arg4: memref<2x4096x2048xf32, #tpu.memory_space<hbm>>, %arg5: memref<256xi32, #tpu.memory_space<vmem>>, %arg6: memref<16x2048xf32, #tpu.memory_space<vmem>>, %arg7: memref<16x2048xf32, #tpu.memory_space<vmem>>, %arg8: memref<!tpu.dma_semaphore, #tpu.memory_space<semaphore_mem>>, %arg9: memref<!tpu.dma_semaphore, #tpu.memory_space<semaphore_mem>>, %arg10: memref<!tpu.dma_semaphore, #tpu.memory_space<semaphore_mem>>, %arg11: memref<!tpu.dma_semaphore, #tpu.memory_space<semaphore_mem>>) attributes {dimension_semantics = [#tpu.dimension_semantics<core_parallel>, #tpu.dimension_semantics<subcore_parallel>], iteration_bounds = array<i64: 2, 16>, scalar_prefetch = 0 : i64, scratch_operands = 7 : i64, tpu.core_type = #tpu.core_type<sc_vector_subcore>, window_params = [{transform_indices = #map}, {transform_indices = #map}, {transform_indices = #map1}]} {
    %mul3A = arith.constant 2 : i32
    %mul3A_0 = arith.muli %arg1, %mul3A : i32
    %add3A = arith.addi %mul3A_0, %arg0 : i32
    %jit3A = arith.constant 16 : i32
    %div3A = arith.divsi %add3A, %jit3A : i32
    %sign3A = arith.constant 0 : i32
    %sign3A_1 = arith.cmpi sgt, %add3A, %sign3A : i32
    %sign3A_2 = arith.extui %sign3A_1 : i1 to i32
    %sign3A_3 = arith.constant 0 : i32
    %sign3A_4 = arith.cmpi slt, %add3A, %sign3A_3 : i32
    %sign3A_5 = arith.extui %sign3A_4 : i1 to i32
    %sign3A_6 = arith.subi %sign3A_2, %sign3A_5 : i32
    %sign3A_7 = arith.constant 0 : i32
    %sign3A_8 = arith.cmpi sgt, %jit3A, %sign3A_7 : i32
    %sign3A_9 = arith.extui %sign3A_8 : i1 to i32
    %sign3A_10 = arith.constant 0 : i32
    %sign3A_11 = arith.cmpi slt, %jit3A, %sign3A_10 : i32
    %sign3A_12 = arith.extui %sign3A_11 : i1 to i32
    %sign3A_13 = arith.subi %sign3A_9, %sign3A_12 : i32
    %ne3A = arith.cmpi ne, %sign3A_6, %sign3A_13 : i32
    %rem3A = arith.remsi %add3A, %jit3A : i32
    %ne3A_14 = arith.constant 0 : i32
    %ne3A_15 = arith.cmpi ne, %rem3A, %ne3A_14 : i32
    %and3A = arith.andi %ne3A, %ne3A_15 : i1
    %sub3A = arith.constant 1 : i32
    %sub3A_16 = arith.subi %div3A, %sub3A : i32
    %select_n3A = arith.select %and3A, %sub3A_16, %div3A : i32
    %jit3A_17 = arith.constant 16 : i32
    %eq3A = arith.constant 0 : i32
    %eq3A_18 = arith.cmpi eq, %jit3A_17, %eq3A : i32
    %jit3A_19 = arith.constant 1 : i32
    %select_n3A_20 = arith.select %eq3A_18, %jit3A_19, %jit3A_17 : i32
    %rem3A_21 = arith.remsi %add3A, %select_n3A_20 : i32
    %ne3A_22 = arith.constant 0 : i32
    %ne3A_23 = arith.cmpi ne, %rem3A_21, %ne3A_22 : i32
    %lt3A = arith.constant 0 : i32
    %lt3A_24 = arith.cmpi slt, %rem3A_21, %lt3A : i32
    %lt3A_25 = arith.constant 0 : i32
    %lt3A_26 = arith.cmpi slt, %select_n3A_20, %lt3A_25 : i32
    %ne3A_27 = arith.xori %lt3A_24, %lt3A_26 : i1
    %and3A_28 = arith.andi %ne3A_27, %ne3A_23 : i1
    %add3A_29 = arith.addi %rem3A_21, %select_n3A_20 : i32
    %select_n3A_30 = arith.select %and3A_28, %add3A_29, %rem3A_21 : i32
    %mul3A_31 = arith.constant 256 : i32
    %mul3A_32 = arith.muli %select_n3A_30, %mul3A_31 : i32
    "tpu.region"() ({
      %run_scoped3A = tpu.sem_alloc : memref<!tpu.dma_semaphore, #tpu.memory_space<semaphore_mem>>
      %dma_start3A_84 = tpu.memref_slice %arg2[%select_n3A, %mul3A_32] : memref<2x4096xi32, #tpu.memory_space<hbm>> -> memref<1x256xi32, #tpu.memory_space<hbm>>
      %dma_start3A_85 = tpu.memref_squeeze %dma_start3A_84 : memref<1x256xi32, #tpu.memory_space<hbm>> -> memref<256xi32, #tpu.memory_space<hbm>>
      %dma_start3A_86 = tpu.memref_slice %arg2[%select_n3A, %mul3A_32] : memref<2x4096xi32, #tpu.memory_space<hbm>> -> memref<1x256xi32, #tpu.memory_space<hbm>>
      %dma_start3A_87 = tpu.memref_squeeze %dma_start3A_86 : memref<1x256xi32, #tpu.memory_space<hbm>> -> memref<256xi32, #tpu.memory_space<hbm>>
      tpu.enqueue_dma source(%dma_start3A_87 : memref<256xi32, #tpu.memory_space<hbm>>) target(%arg5 : memref<256xi32, #tpu.memory_space<vmem>>) target_semaphore(%run_scoped3A : memref<!tpu.dma_semaphore, #tpu.memory_space<semaphore_mem>>)
      %dma_wait3A_88 = tpu.memref_slice %arg2[%select_n3A, %mul3A_32] : memref<2x4096xi32, #tpu.memory_space<hbm>> -> memref<1x256xi32, #tpu.memory_space<hbm>>
      %dma_wait3A_89 = tpu.memref_squeeze %dma_wait3A_88 : memref<1x256xi32, #tpu.memory_space<hbm>> -> memref<256xi32, #tpu.memory_space<hbm>>
      %dma_wait3A_90 = tpu.memref_slice %arg2[%select_n3A, %mul3A_32] : memref<2x4096xi32, #tpu.memory_space<hbm>> -> memref<1x256xi32, #tpu.memory_space<hbm>>
      %dma_wait3A_91 = tpu.memref_squeeze %dma_wait3A_90 : memref<1x256xi32, #tpu.memory_space<hbm>> -> memref<256xi32, #tpu.memory_space<hbm>>
      tpu.wait_dma2 semaphore(%run_scoped3A : memref<!tpu.dma_semaphore, #tpu.memory_space<semaphore_mem>>) src(%dma_wait3A_91 : memref<256xi32, #tpu.memory_space<hbm>>) dst(%arg5 : memref<256xi32, #tpu.memory_space<vmem>>)
      tpu.yield
    }) : () -> ()
    %dma_start3A = arith.constant 0 : i32
    %dma_start3A_33 = tpu.memref_slice %arg5[%dma_start3A] : memref<256xi32, #tpu.memory_space<vmem>> -> memref<16xi32, #tpu.memory_space<vmem>>
    %dma_start3A_34 = arith.constant 0 : i32
    %dma_start3A_35 = arith.constant 0 : i32
    %dma_start3A_36 = tpu.memref_slice %arg3[%dma_start3A_34, %dma_start3A_35] : memref<32000x2048xf32, #tpu.memory_space<hbm>> -> memref<32000x2048xf32, #tpu.memory_space<hbm>>
    tpu.enqueue_indirect_dma source(%dma_start3A_36 : memref<32000x2048xf32, #tpu.memory_space<hbm>>) target(%arg6 : memref<16x2048xf32, #tpu.memory_space<vmem>>) offsets(%dma_start3A_33 : memref<16xi32, #tpu.memory_space<vmem>>) semaphore(%arg8 : memref<!tpu.dma_semaphore, #tpu.memory_space<semaphore_mem>>)
    %dma_start3A_37 = arith.constant 16 : i32
    %dma_start3A_38 = tpu.memref_slice %arg5[%dma_start3A_37] : memref<256xi32, #tpu.memory_space<vmem>> -> memref<16xi32, #tpu.memory_space<vmem>>
    %dma_start3A_39 = arith.constant 0 : i32
    %dma_start3A_40 = arith.constant 0 : i32
    %dma_start3A_41 = tpu.memref_slice %arg3[%dma_start3A_39, %dma_start3A_40] : memref<32000x2048xf32, #tpu.memory_space<hbm>> -> memref<32000x2048xf32, #tpu.memory_space<hbm>>
    tpu.enqueue_indirect_dma source(%dma_start3A_41 : memref<32000x2048xf32, #tpu.memory_space<hbm>>) target(%arg7 : memref<16x2048xf32, #tpu.memory_space<vmem>>) offsets(%dma_start3A_38 : memref<16xi32, #tpu.memory_space<vmem>>) semaphore(%arg9 : memref<!tpu.dma_semaphore, #tpu.memory_space<semaphore_mem>>)
    %dma_wait3A = arith.constant 0 : i32
    %dma_wait3A_42 = tpu.memref_slice %arg5[%dma_wait3A] : memref<256xi32, #tpu.memory_space<vmem>> -> memref<16xi32, #tpu.memory_space<vmem>>
    %dma_wait3A_43 = arith.constant 0 : i32
    %dma_wait3A_44 = arith.constant 0 : i32
    %dma_wait3A_45 = tpu.memref_slice %arg3[%dma_wait3A_43, %dma_wait3A_44] : memref<32000x2048xf32, #tpu.memory_space<hbm>> -> memref<32000x2048xf32, #tpu.memory_space<hbm>>
    tpu.wait_indirect_dma semaphore(%arg8 : memref<!tpu.dma_semaphore, #tpu.memory_space<semaphore_mem>>) src(%dma_wait3A_45 : memref<32000x2048xf32, #tpu.memory_space<hbm>>) dst(%arg6 : memref<16x2048xf32, #tpu.memory_space<vmem>>)
    %add3A_46 = arith.constant 0 : i32
    %add3A_47 = arith.addi %mul3A_32, %add3A_46 : i32
    %dma_start3A_48 = arith.constant 0 : i32
    %dma_start3A_49 = tpu.memref_slice %arg4[%select_n3A, %add3A_47, %dma_start3A_48] : memref<2x4096x2048xf32, #tpu.memory_space<hbm>> -> memref<1x16x2048xf32, #tpu.memory_space<hbm>>
    %dma_start3A_50 = tpu.memref_squeeze %dma_start3A_49 : memref<1x16x2048xf32, #tpu.memory_space<hbm>> -> memref<16x2048xf32, #tpu.memory_space<hbm>>
    %dma_start3A_51 = arith.constant 0 : i32
    %dma_start3A_52 = tpu.memref_slice %arg4[%select_n3A, %add3A_47, %dma_start3A_51] : memref<2x4096x2048xf32, #tpu.memory_space<hbm>> -> memref<1x16x2048xf32, #tpu.memory_space<hbm>>
    %dma_start3A_53 = tpu.memref_squeeze %dma_start3A_52 : memref<1x16x2048xf32, #tpu.memory_space<hbm>> -> memref<16x2048xf32, #tpu.memory_space<hbm>>
    tpu.enqueue_dma source(%arg6 : memref<16x2048xf32, #tpu.memory_space<vmem>>) target(%dma_start3A_53 : memref<16x2048xf32, #tpu.memory_space<hbm>>) target_semaphore(%arg10 : memref<!tpu.dma_semaphore, #tpu.memory_space<semaphore_mem>>)
    %scan3A = arith.constant 0 : i32
    %scan3A_54 = arith.constant 1 : i32
    %scan3A_55 = arith.constant 7 : i32
    %scan3A_56 = arith.addi %scan3A_54, %scan3A_55 : i32
    %scan3A_57 = arith.constant 1 : i32
    scf.for %scan3A_84 = %scan3A_54 to %scan3A_56 step %scan3A_57  : i32 {
      %mul3A_85 = arith.constant 2 : i32
      %mul3A_86 = arith.muli %scan3A_84, %mul3A_85 : i32
      %add3A_87 = arith.constant 0 : i32
      %add3A_88 = arith.addi %mul3A_86, %add3A_87 : i32
      %dma_wait3A_89 = arith.constant 0 : i32
      %dma_wait3A_90 = tpu.memref_slice %arg4[%select_n3A, %mul3A_32, %dma_wait3A_89] : memref<2x4096x2048xf32, #tpu.memory_space<hbm>> -> memref<1x16x2048xf32, #tpu.memory_space<hbm>>
      %dma_wait3A_91 = tpu.memref_squeeze %dma_wait3A_90 : memref<1x16x2048xf32, #tpu.memory_space<hbm>> -> memref<16x2048xf32, #tpu.memory_space<hbm>>
      %dma_wait3A_92 = arith.constant 0 : i32
      %dma_wait3A_93 = tpu.memref_slice %arg4[%select_n3A, %mul3A_32, %dma_wait3A_92] : memref<2x4096x2048xf32, #tpu.memory_space<hbm>> -> memref<1x16x2048xf32, #tpu.memory_space<hbm>>
      %dma_wait3A_94 = tpu.memref_squeeze %dma_wait3A_93 : memref<1x16x2048xf32, #tpu.memory_space<hbm>> -> memref<16x2048xf32, #tpu.memory_space<hbm>>
      tpu.wait_dma2 semaphore(%arg10 : memref<!tpu.dma_semaphore, #tpu.memory_space<semaphore_mem>>) src(%arg6 : memref<16x2048xf32, #tpu.memory_space<vmem>>) dst(%dma_wait3A_94 : memref<16x2048xf32, #tpu.memory_space<hbm>>)
      %mul3A_95 = arith.constant 16 : i32
      %mul3A_96 = arith.muli %add3A_88, %mul3A_95 : i32
      %dma_start3A_97 = tpu.memref_slice %arg5[%mul3A_96] : memref<256xi32, #tpu.memory_space<vmem>> -> memref<16xi32, #tpu.memory_space<vmem>>
      %dma_start3A_98 = arith.constant 0 : i32
      %dma_start3A_99 = arith.constant 0 : i32
      %dma_start3A_100 = tpu.memref_slice %arg3[%dma_start3A_98, %dma_start3A_99] : memref<32000x2048xf32, #tpu.memory_space<hbm>> -> memref<32000x2048xf32, #tpu.memory_space<hbm>>
      tpu.enqueue_indirect_dma source(%dma_start3A_100 : memref<32000x2048xf32, #tpu.memory_space<hbm>>) target(%arg6 : memref<16x2048xf32, #tpu.memory_space<vmem>>) offsets(%dma_start3A_97 : memref<16xi32, #tpu.memory_space<vmem>>) semaphore(%arg8 : memref<!tpu.dma_semaphore, #tpu.memory_space<semaphore_mem>>)
      %dma_wait3A_101 = arith.constant 0 : i32
      %dma_wait3A_102 = tpu.memref_slice %arg5[%dma_wait3A_101] : memref<256xi32, #tpu.memory_space<vmem>> -> memref<16xi32, #tpu.memory_space<vmem>>
      %dma_wait3A_103 = arith.constant 0 : i32
      %dma_wait3A_104 = arith.constant 0 : i32
      %dma_wait3A_105 = tpu.memref_slice %arg3[%dma_wait3A_103, %dma_wait3A_104] : memref<32000x2048xf32, #tpu.memory_space<hbm>> -> memref<32000x2048xf32, #tpu.memory_space<hbm>>
      tpu.wait_indirect_dma semaphore(%arg9 : memref<!tpu.dma_semaphore, #tpu.memory_space<semaphore_mem>>) src(%dma_wait3A_105 : memref<32000x2048xf32, #tpu.memory_space<hbm>>) dst(%arg7 : memref<16x2048xf32, #tpu.memory_space<vmem>>)
      %sub3A_106 = arith.constant 1 : i32
      %sub3A_107 = arith.subi %add3A_88, %sub3A_106 : i32
      %mul3A_108 = arith.constant 16 : i32
      %mul3A_109 = arith.muli %sub3A_107, %mul3A_108 : i32
      %add3A_110 = arith.addi %mul3A_32, %mul3A_109 : i32
      %dma_start3A_111 = arith.constant 0 : i32
      %dma_start3A_112 = tpu.memref_slice %arg4[%select_n3A, %add3A_110, %dma_start3A_111] : memref<2x4096x2048xf32, #tpu.memory_space<hbm>> -> memref<1x16x2048xf32, #tpu.memory_space<hbm>>
      %dma_start3A_113 = tpu.memref_squeeze %dma_start3A_112 : memref<1x16x2048xf32, #tpu.memory_space<hbm>> -> memref<16x2048xf32, #tpu.memory_space<hbm>>
      %dma_start3A_114 = arith.constant 0 : i32
      %dma_start3A_115 = tpu.memref_slice %arg4[%select_n3A, %add3A_110, %dma_start3A_114] : memref<2x4096x2048xf32, #tpu.memory_space<hbm>> -> memref<1x16x2048xf32, #tpu.memory_space<hbm>>
      %dma_start3A_116 = tpu.memref_squeeze %dma_start3A_115 : memref<1x16x2048xf32, #tpu.memory_space<hbm>> -> memref<16x2048xf32, #tpu.memory_space<hbm>>
      tpu.enqueue_dma source(%arg7 : memref<16x2048xf32, #tpu.memory_space<vmem>>) target(%dma_start3A_116 : memref<16x2048xf32, #tpu.memory_space<hbm>>) target_semaphore(%arg11 : memref<!tpu.dma_semaphore, #tpu.memory_space<semaphore_mem>>)
      %add3A_117 = arith.constant 1 : i32
      %add3A_118 = arith.addi %mul3A_86, %add3A_117 : i32
      %dma_wait3A_119 = arith.constant 0 : i32
      %dma_wait3A_120 = tpu.memref_slice %arg4[%select_n3A, %mul3A_32, %dma_wait3A_119] : memref<2x4096x2048xf32, #tpu.memory_space<hbm>> -> memref<1x16x2048xf32, #tpu.memory_space<hbm>>
      %dma_wait3A_121 = tpu.memref_squeeze %dma_wait3A_120 : memref<1x16x2048xf32, #tpu.memory_space<hbm>> -> memref<16x2048xf32, #tpu.memory_space<hbm>>
      %dma_wait3A_122 = arith.constant 0 : i32
      %dma_wait3A_123 = tpu.memref_slice %arg4[%select_n3A, %mul3A_32, %dma_wait3A_122] : memref<2x4096x2048xf32, #tpu.memory_space<hbm>> -> memref<1x16x2048xf32, #tpu.memory_space<hbm>>
      %dma_wait3A_124 = tpu.memref_squeeze %dma_wait3A_123 : memref<1x16x2048xf32, #tpu.memory_space<hbm>> -> memref<16x2048xf32, #tpu.memory_space<hbm>>
      tpu.wait_dma2 semaphore(%arg11 : memref<!tpu.dma_semaphore, #tpu.memory_space<semaphore_mem>>) src(%arg7 : memref<16x2048xf32, #tpu.memory_space<vmem>>) dst(%dma_wait3A_124 : memref<16x2048xf32, #tpu.memory_space<hbm>>)
      %mul3A_125 = arith.constant 16 : i32
      %mul3A_126 = arith.muli %add3A_118, %mul3A_125 : i32
      %dma_start3A_127 = tpu.memref_slice %arg5[%mul3A_126] : memref<256xi32, #tpu.memory_space<vmem>> -> memref<16xi32, #tpu.memory_space<vmem>>
      %dma_start3A_128 = arith.constant 0 : i32
      %dma_start3A_129 = arith.constant 0 : i32
      %dma_start3A_130 = tpu.memref_slice %arg3[%dma_start3A_128, %dma_start3A_129] : memref<32000x2048xf32, #tpu.memory_space<hbm>> -> memref<32000x2048xf32, #tpu.memory_space<hbm>>
      tpu.enqueue_indirect_dma source(%dma_start3A_130 : memref<32000x2048xf32, #tpu.memory_space<hbm>>) target(%arg7 : memref<16x2048xf32, #tpu.memory_space<vmem>>) offsets(%dma_start3A_127 : memref<16xi32, #tpu.memory_space<vmem>>) semaphore(%arg9 : memref<!tpu.dma_semaphore, #tpu.memory_space<semaphore_mem>>)
      %dma_wait3A_131 = arith.constant 0 : i32
      %dma_wait3A_132 = tpu.memref_slice %arg5[%dma_wait3A_131] : memref<256xi32, #tpu.memory_space<vmem>> -> memref<16xi32, #tpu.memory_space<vmem>>
      %dma_wait3A_133 = arith.constant 0 : i32
      %dma_wait3A_134 = arith.constant 0 : i32
      %dma_wait3A_135 = tpu.memref_slice %arg3[%dma_wait3A_133, %dma_wait3A_134] : memref<32000x2048xf32, #tpu.memory_space<hbm>> -> memref<32000x2048xf32, #tpu.memory_space<hbm>>
      tpu.wait_indirect_dma semaphore(%arg8 : memref<!tpu.dma_semaphore, #tpu.memory_space<semaphore_mem>>) src(%dma_wait3A_135 : memref<32000x2048xf32, #tpu.memory_space<hbm>>) dst(%arg6 : memref<16x2048xf32, #tpu.memory_space<vmem>>)
      %sub3A_136 = arith.constant 1 : i32
      %sub3A_137 = arith.subi %add3A_118, %sub3A_136 : i32
      %mul3A_138 = arith.constant 16 : i32
      %mul3A_139 = arith.muli %sub3A_137, %mul3A_138 : i32
      %add3A_140 = arith.addi %mul3A_32, %mul3A_139 : i32
      %dma_start3A_141 = arith.constant 0 : i32
      %dma_start3A_142 = tpu.memref_slice %arg4[%select_n3A, %add3A_140, %dma_start3A_141] : memref<2x4096x2048xf32, #tpu.memory_space<hbm>> -> memref<1x16x2048xf32, #tpu.memory_space<hbm>>
      %dma_start3A_143 = tpu.memref_squeeze %dma_start3A_142 : memref<1x16x2048xf32, #tpu.memory_space<hbm>> -> memref<16x2048xf32, #tpu.memory_space<hbm>>
      %dma_start3A_144 = arith.constant 0 : i32
      %dma_start3A_145 = tpu.memref_slice %arg4[%select_n3A, %add3A_140, %dma_start3A_144] : memref<2x4096x2048xf32, #tpu.memory_space<hbm>> -> memref<1x16x2048xf32, #tpu.memory_space<hbm>>
      %dma_start3A_146 = tpu.memref_squeeze %dma_start3A_145 : memref<1x16x2048xf32, #tpu.memory_space<hbm>> -> memref<16x2048xf32, #tpu.memory_space<hbm>>
      tpu.enqueue_dma source(%arg6 : memref<16x2048xf32, #tpu.memory_space<vmem>>) target(%dma_start3A_146 : memref<16x2048xf32, #tpu.memory_space<hbm>>) target_semaphore(%arg10 : memref<!tpu.dma_semaphore, #tpu.memory_space<semaphore_mem>>)
    }
    %scan3A_58 = arith.constant 7 : i32
    %dma_wait3A_59 = arith.constant 0 : i32
    %dma_wait3A_60 = tpu.memref_slice %arg5[%dma_wait3A_59] : memref<256xi32, #tpu.memory_space<vmem>> -> memref<16xi32, #tpu.memory_space<vmem>>
    %dma_wait3A_61 = arith.constant 0 : i32
    %dma_wait3A_62 = arith.constant 0 : i32
    %dma_wait3A_63 = tpu.memref_slice %arg3[%dma_wait3A_61, %dma_wait3A_62] : memref<32000x2048xf32, #tpu.memory_space<hbm>> -> memref<32000x2048xf32, #tpu.memory_space<hbm>>
    tpu.wait_indirect_dma semaphore(%arg9 : memref<!tpu.dma_semaphore, #tpu.memory_space<semaphore_mem>>) src(%dma_wait3A_63 : memref<32000x2048xf32, #tpu.memory_space<hbm>>) dst(%arg7 : memref<16x2048xf32, #tpu.memory_space<vmem>>)
    %add3A_64 = arith.constant 240 : i32
    %add3A_65 = arith.addi %mul3A_32, %add3A_64 : i32
    %dma_start3A_66 = arith.constant 0 : i32
    %dma_start3A_67 = tpu.memref_slice %arg4[%select_n3A, %add3A_65, %dma_start3A_66] : memref<2x4096x2048xf32, #tpu.memory_space<hbm>> -> memref<1x16x2048xf32, #tpu.memory_space<hbm>>
    %dma_start3A_68 = tpu.memref_squeeze %dma_start3A_67 : memref<1x16x2048xf32, #tpu.memory_space<hbm>> -> memref<16x2048xf32, #tpu.memory_space<hbm>>
    %dma_start3A_69 = arith.constant 0 : i32
    %dma_start3A_70 = tpu.memref_slice %arg4[%select_n3A, %add3A_65, %dma_start3A_69] : memref<2x4096x2048xf32, #tpu.memory_space<hbm>> -> memref<1x16x2048xf32, #tpu.memory_space<hbm>>
    %dma_start3A_71 = tpu.memref_squeeze %dma_start3A_70 : memref<1x16x2048xf32, #tpu.memory_space<hbm>> -> memref<16x2048xf32, #tpu.memory_space<hbm>>
    tpu.enqueue_dma source(%arg7 : memref<16x2048xf32, #tpu.memory_space<vmem>>) target(%dma_start3A_71 : memref<16x2048xf32, #tpu.memory_space<hbm>>) target_semaphore(%arg11 : memref<!tpu.dma_semaphore, #tpu.memory_space<semaphore_mem>>)
    %dma_wait3A_72 = arith.constant 0 : i32
    %dma_wait3A_73 = tpu.memref_slice %arg4[%select_n3A, %mul3A_32, %dma_wait3A_72] : memref<2x4096x2048xf32, #tpu.memory_space<hbm>> -> memref<1x16x2048xf32, #tpu.memory_space<hbm>>
    %dma_wait3A_74 = tpu.memref_squeeze %dma_wait3A_73 : memref<1x16x2048xf32, #tpu.memory_space<hbm>> -> memref<16x2048xf32, #tpu.memory_space<hbm>>
    %dma_wait3A_75 = arith.constant 0 : i32
    %dma_wait3A_76 = tpu.memref_slice %arg4[%select_n3A, %mul3A_32, %dma_wait3A_75] : memref<2x4096x2048xf32, #tpu.memory_space<hbm>> -> memref<1x16x2048xf32, #tpu.memory_space<hbm>>
    %dma_wait3A_77 = tpu.memref_squeeze %dma_wait3A_76 : memref<1x16x2048xf32, #tpu.memory_space<hbm>> -> memref<16x2048xf32, #tpu.memory_space<hbm>>
    tpu.wait_dma2 semaphore(%arg10 : memref<!tpu.dma_semaphore, #tpu.memory_space<semaphore_mem>>) src(%arg6 : memref<16x2048xf32, #tpu.memory_space<vmem>>) dst(%dma_wait3A_77 : memref<16x2048xf32, #tpu.memory_space<hbm>>)
    %dma_wait3A_78 = arith.constant 0 : i32
    %dma_wait3A_79 = tpu.memref_slice %arg4[%select_n3A, %mul3A_32, %dma_wait3A_78] : memref<2x4096x2048xf32, #tpu.memory_space<hbm>> -> memref<1x16x2048xf32, #tpu.memory_space<hbm>>
    %dma_wait3A_80 = tpu.memref_squeeze %dma_wait3A_79 : memref<1x16x2048xf32, #tpu.memory_space<hbm>> -> memref<16x2048xf32, #tpu.memory_space<hbm>>
    %dma_wait3A_81 = arith.constant 0 : i32
    %dma_wait3A_82 = tpu.memref_slice %arg4[%select_n3A, %mul3A_32, %dma_wait3A_81] : memref<2x4096x2048xf32, #tpu.memory_space<hbm>> -> memref<1x16x2048xf32, #tpu.memory_space<hbm>>
    %dma_wait3A_83 = tpu.memref_squeeze %dma_wait3A_82 : memref<1x16x2048xf32, #tpu.memory_space<hbm>> -> memref<16x2048xf32, #tpu.memory_space<hbm>>
    tpu.wait_dma2 semaphore(%arg11 : memref<!tpu.dma_semaphore, #tpu.memory_space<semaphore_mem>>) src(%arg7 : memref<16x2048xf32, #tpu.memory_space<vmem>>) dst(%dma_wait3A_83 : memref<16x2048xf32, #tpu.memory_space<hbm>>)
    return
  }
}

</mosaic_0001>

<sc_bundles>
// kernel: kernel.3.cloned.1.call-start
scs
__scs_entry_jumppad:
0x0: {  	(pc) =	sbr.rel $0x88, $3  }
0x1: {  	(tag) =	ssettag $0x0;
	lr =	simm.s32 $0x1  }
0x2: {  	[smem:$0x3F9D] =	sst lr;
	_ =	strace $0xD0000000  }
0x3: {  	_ = 	snop  }
0x4: {  	_ = 	snop  }
0x5: {  	_ = 	snop  }
0x6: {  	_ = 	snop  }
0x7: {  	_ = 	snop  }
__scs_overlays_trampoline_lowered:
0x8: {  	[smem:$0x3FAC] =	sst s0  }
0x9: {  	[smem:$0x3FAD] =	sst s1  }
0xa: {  	[smem:$0x3FAE] =	sst s2  }
0xb: {  	[smem:$0x3FAF] =	sst s3  }
0xc: {  	[smem:$0x3FB0] =	sst s4  }
0xd: {  	[smem:$0x3FB1] =	sst s5  }
0xe: {  	[smem:$0x3FB2] =	sst s6  }
0xf: {  	[smem:$0x3FB3] =	sst s7  }
0x10: {  	[smem:$0x3FB4] =	sst s8  }
0x11: {  	[smem:$0x3FB5] =	sst s9;
	s0 =	simm.s32 @!p0 $0x0  }
0x12: {  	s1 =	sld [smem:$0x3F9B];
	s0 =	simm.s32 @p0 $0x1  }
0x13: {  	[smem:$0x3FB6] =	sst s0;
	s0 =	simm.s32 @!p1 $0x0  }
0x14: {  	s2 =	sld [smem:$0x3F9A];
	s0 =	simm.s32 @p1 $0x1  }
0x15: {  	[smem:$0x3FB7] =	sst s0;
	s0 =	simm.s32 @!p2 $0x0  }
0x16: {  	s3 =	sld [smem:$0x3FDB];
	s0 =	simm.s32 @p2 $0x1  }
0x17: {  	s4 =	simm.s32 $0x1BF5;
	[smem:$0x3FB9] =	sst s0  }
0x18: {  	s0 =	sld [smem:$0x3F9C];
	_ =	swait.ge [sflag:s4], $0x0  }
0x19: {  	s7 =	sld [smem:$0x3F9D]  }
0x1a: {  	s8 =	sadd.s32 $0xFFFFE003, lr  }
0x1b: {  	s9 =	sadd.s32 $0xFFFFFEF7, lr;
	s5 =	simm.s32 $0xFFFFFFFF;
	p2 =	slt.u32 s8, $0xFFFFF086  }
0x1c: {  	p1 =	slt.u32 s9, $0xF7A;
	s5 =	simm.s32 @!p2 $0x0  }
0x1d: {  	s5 =	simm.s32 @p1 $0x1;
	p0 =	seq.s32 s7, s2  }
0x1e: {  	s7 =	smul.u32 @!p0 $0xF7A, s2;
	p2 =	seq.s32 @!p0 s5, $0x0  }
0x1f: {  	s9 =	smul.u32 $0xF7A, s1;
	s8 =	simm.s32 @!p0 $0x1BF5;
	p2 =	por !p2, p0  }
0x20: {  	[sflag:s8] =	ssyncset.s32 @!p0 $0xFFFFF086;
	s6 =	sadd.s32 @!p0 s3, s7;
	s7 =	simm.s32 @!p0 $0x108  }
0x21: {  	s3 =	sadd.s32 s3, s9;
	s6 =	sadd.s32 @!p0 $0x88, s6;
	s7 =	simm.s32 @p2 $0x1082  }
0x22: {  	[simem:s7], [sflag:s8] =	dma.local @!p0 [hbm:s6], $0xF7A  }
0x23: {  	s9 =	sor.u32 $0xD0000000, s2;
	s6 =	simm.s32 $0x108;
	_ =	swait.ge @!p0 [sflag:s8], $0x0  }
0x24: {  	s3 =	sadd.s32 $0x88, s3;
	s6 =	simm.s32 @!p1 $0x1082;
	[sflag:s4] =	ssyncset.s32 $0xFFFFF086  }
0x25: {  	[simem:s6], [sflag:s4] =	dma.local [hbm:s3], $0xF7A  }
0x26: {  	[smem:$0x3F9D] =	sst s1;
	(tag) =	ssettag s2;
	_ =	strace s9  }
0x27: {  	s1 =	sld [smem:$0x3FAD]  }
0x28: {  	s2 =	sld [smem:$0x3FAE]  }
0x29: {  	s4 =	sld [smem:$0x3FB0]  }
0x2a: {  	p0 =	seq.s32 s5, $0x0;
	s5 =	sld [smem:$0x3FB1]  }
0x2b: {  	s6 =	sld [smem:$0x3FB2]  }
0x2c: {  	s7 =	sld [smem:$0x3FB3]  }
0x2d: {  	s3 =	simm.s32 $0x108;
	s8 =	sld [smem:$0x3FB4]  }
0x2e: {  	s3 =	simm.s32 @!p0 $0x1082;
	s9 =	sld [smem:$0x3FB5]  }
0x2f: {  	lr =	sadd.s32 s0, s3;
	s0 =	sld [smem:$0x3FAC]  }
0x30: {  	s3 =	sld [smem:$0x3FAF]  }
0x31: {  	[smem:$0x3FB8] =	sst s10  }
0x32: {  	s10 =	sld [smem:$0x3FB6];
	_ =	sdelay $0x3  }
0x33: {  	p0 =	seq.s32 s10, $0x1;
	s10 =	sld [smem:$0x3FB8];
	_ =	sdelay $0x3  }
0x34: {  	[smem:$0x3FB8] =	sst s10  }
0x35: {  	s10 =	sld [smem:$0x3FB7];
	_ =	sdelay $0x3  }
0x36: {  	p1 =	seq.s32 s10, $0x1;
	s10 =	sld [smem:$0x3FB8];
	_ =	sdelay $0x3  }
0x37: {  	[smem:$0x3FB8] =	sst s10  }
0x38: {  	s10 =	sld [smem:$0x3FB9]  }
0x39: {  	_ = 	snop;
	(pc) =	sbr.ind lr, $3  }
0x3a: {  	_ = 	snop  }
0x3b: {  	_ = 	snop  }
0x3c: {  	p2 =	seq.s32 s10, $0x1;
	s10 =	sld [smem:$0x3FB8]  }
0x3d: {  	_ =	shalt  }
0x3e: {  	_ =	shalt  }
0x3f: {  	_ =	shalt  }
0x40: {  	_ =	shalt  }
0x41: {  	_ =	shalt  }
0x42: {  	_ =	shalt  }
0x43: {  	_ =	shalt  }
0x44: {  	_ =	shalt  }
0x45: {  	_ =	shalt  }
0x46: {  	_ =	shalt  }
0x47: {  	_ =	shalt  }
0x48: {  	_ =	shalt  }
0x49: {  	_ =	shalt  }
0x4a: {  	_ =	shalt  }
0x4b: {  	_ =	shalt  }
0x4c: {  	_ =	shalt  }
0x4d: {  	_ =	shalt  }
0x4e: {  	_ =	shalt  }
0x4f: {  	_ =	shalt  }
0x50: {  	_ =	shalt  }
0x51: {  	_ =	shalt  }
0x52: {  	_ =	shalt  }
0x53: {  	_ =	shalt  }
0x54: {  	_ =	shalt  }
0x55: {  	_ =	shalt  }
0x56: {  	_ =	shalt  }
0x57: {  	_ =	shalt  }
0x58: {  	_ =	shalt  }
0x59: {  	_ =	shalt  }
0x5a: {  	_ =	shalt  }
0x5b: {  	_ =	shalt  }
0x5c: {  	_ =	shalt  }
0x5d: {  	_ =	shalt  }
0x5e: {  	_ =	shalt  }
0x5f: {  	_ =	shalt  }
0x60: {  	_ =	shalt  }
0x61: {  	_ =	shalt  }
0x62: {  	_ =	shalt  }
0x63: {  	_ =	shalt  }
0x64: {  	_ =	shalt  }
0x65: {  	_ =	shalt  }
0x66: {  	_ =	shalt  }
0x67: {  	_ =	shalt  }
0x68: {  	_ =	shalt  }
0x69: {  	_ =	shalt  }
0x6a: {  	_ =	shalt  }
0x6b: {  	_ =	shalt  }
0x6c: {  	_ =	shalt  }
0x6d: {  	_ =	shalt  }
0x6e: {  	_ =	shalt  }
0x6f: {  	_ =	shalt  }
0x70: {  	_ =	shalt  }
0x71: {  	_ =	shalt  }
0x72: {  	_ =	shalt  }
0x73: {  	_ =	shalt  }
0x74: {  	_ =	shalt  }
0x75: {  	_ =	shalt  }
0x76: {  	_ =	shalt  }
0x77: {  	_ =	shalt  }
0x78: {  	_ =	shalt  }
0x79: {  	_ =	shalt  }
0x7a: {  	_ =	shalt  }
0x7b: {  	_ =	shalt  }
0x7c: {  	_ =	shalt  }
0x7d: {  	_ =	shalt  }
0x7e: {  	_ =	shalt  }
0x7f: {  	_ =	shalt  }
0x80: {  	_ =	shalt  }
0x81: {  	_ =	shalt  }
0x82: {  	_ =	shalt  }
0x83: {  	_ =	shalt  }
0x84: {  	_ =	shalt  }
0x85: {  	_ =	shalt  }
0x86: {  	_ =	shalt  }
0x87: {  	_ =	shalt  }
.Lfunc_end0:
.L_simem_size_0:
called_computation_lowered:
.L_overlay_start_0:
0x88: {  	s2 =	sld [smem:$0x3FD9]  }
0x89: {  	s3 =	sld [smem:$0x3FFE];
	_ =	sdelay $0x1  }
0x8a: {  	s1 =	srdreg.scid  }
0x8b: {  	s0 =	sand.u32 $0x1, s1  }
0x8c: {  	s15 =	sshll.u32 s0, $0xA;
	s2 =	sadd.s32 s3, s2  }
0x8d: {  	s2 =	sadd.s32 s2, s15  }
0x8e: {  	[smem:$0x3FC4] =	sst s2  }
0x8f: {  	_ = 	snop  }
0x90: {  	s2 =	sld [smem:$0x3FD0];
	_ =	sdelay $0x1  }
0x91: {  	s16 =	sld [smem:$0x3FC9]  }
0x92: {  	s5 =	simm.s32 $0xA;
	s6 =	simm.s32 $0x10;
	s4 =	sld [smem:$0x3FC6]  }
0x93: {  	[smem:s6], [sflag:s5] =	dma.local [hbm:s2], $0x1  }
0x94: {  	_ =	swait.eq [sflag:s5], $0x1  }
0x95: {  	[sflag:s5] =	ssyncset.done $0x0  }
0x96: {  	[sflag:s5] =	ssyncadd.s32 $0xFFFFFFFF  }
0x97: {  	s17 =	sld [smem:$0x10];
	(tm) =	ssettm $0x1  }
0x98: {  	s18 =	sld [smem:$0x3FFB];
	_ =	sdelay $0x3  }
0x99: {  	_ =	strace s18  }
0x9a: {  	s5 =	sld [smem:$0x3FFC];
	_ =	sdelay $0x3  }
0x9b: {  	_ =	strace s5  }
0x9c: {  	s5 =	sld [smem:$0x3FFD];
	_ =	sdelay $0x3  }
0x9d: {  	_ =	strace s5  }
0x9e: {  	_ =	strace $0x8FFFFFFF  }
0x9f: {  	s19 =	sld [smem:$0x3FDB];
	_ =	sdelay $0x1  }
0xa0: {  	s20 =	simm.s32 $_scs_section_size  }
0xa1: {  	s7 =	simm.s32 $_size__tile_overlayer_lowered;
	s8 =	simm.s32 $_tile_overlayer_lowered  }
0xa2: {  	s23 =	simm.s32 $0x1BFF;
	s22 =	sshll.u32 s8, $0x1;
	s5 =	sadd.s32 s20, s19  }
0xa3: {  	s9 =	simm.s32 $0x0;
	s21 =	sshll.u32 s7, $0x1;
	s7 =	sadd.s32 s22, s5  }
0xa4: {  	[timem:s9], [sflag:s23] =	dma.local [hbm:s7], s21  }
0xa5: {  	_ =	swait.ge [sflag:s23], s21  }
0xa6: {  	s6 =	ssub.s32 $0x0, s21;
	[sflag:s23] =	ssyncset.done $0x0  }
0xa7: {  	[sflag:s23] =	ssyncadd.s32 s6;
	_ =	sdelay $0x1  }
0xa8: {  	s24 =	simm.s32 $0x1B8B  }
0xa9: {  	_ =	swait.ge [sflag:s24], $0x1  }
0xaa: {  	[sflag:s24] =	ssyncset.done $0x0  }
0xab: {  	s25 =	simm.s32 $0x1B8E;
	[sflag:s24] =	ssyncadd.s32 $0xFFFFFFFF  }
0xac: {  	s26 =	simm.s32 $execute0_lowered;
	[smem:$0x3FD2] =	sst s25  }
0xad: {  	s6 =	sshll.u32 s26, $0x1;
	_ =	strace $0x80000046;
	[dreg:$0x1] =	wrdreg $0xFFFFFFFF  }
0xae: {  	s28 =	simm.s32 $_size_execute0_lowered;
	s5 =	sadd.s32 s5, s6;
	[dreg:$0x0] =	wrdreg $0x0  }
0xaf: {  	s6 =	sshll.u32 s28, $0x1;
	[dreg:$0x2] =	wrdreg s5  }
0xb0: {  	[dreg:$0x3] =	wrdreg s6  }
0xb1: {  	[dreg:$0x4] =	wrdreg $0xC0  }
0xb2: {  	_ =	task [dreg:s9], $0x5FFFF  }
0xb3: {  	[dreg:$0x1] =	wrdreg $0xFFFFFFFF  }
0xb4: {  	[dreg:$0x0] =	wrdreg $0x60  }
0xb5: {  	[dreg:$0x2] =	wrdreg s16  }
0xb6: {  	[dreg:$0x3] =	wrdreg s4  }
0xb7: {  	[dreg:$0x4] =	wrdreg s17  }
0xb8: {  	[dreg:$0x5] =	wrdreg $0x9  }
0xb9: {  	_ =	task.clear_ibuf [dreg:s9], $0x6FFFF;
	_ =	strace $0x90000046  }
0xba: {  	s29 =	simm.s32 $0x9;
	_ =	strace $0x80000048  }
0xbb: {  	_ =	swait.ge [sflag:s29], $0x1  }
0xbc: {  	[sflag:s29] =	ssyncadd.s32 $0xFFFFFFFF  }
0xbd: {  	_ =	strace $0x90000048  }
0xbe: {  	_ =	sfence  }
0xbf: {  	s30 =	sld [smem:$0x0];
	_ =	sdelay $0x2  }
0xc0: {  	s31 =	sshll.u32 s1, $0xD;
	s1 =	sshrl.u32 s1, $0x2  }
0xc1: {  	s3 =	sand.u32 $0x4000, s31;
	s1 =	sadd.s32 s1, s30  }
0xc2: {  	s0 =	sor.u32 s3, s0;
	s1 =	sshll.u32 s1, $0x11  }
0xc3: {  	s0 =	sor.u32 s1, s0  }
0xc4: {  	s0 =	sadd.s32 $0x8F2B, s0  }
0xc5: {  	[sflag:s0] =	ssyncadd.remote.s32 $0x1  }
0xc6: {  	_ =	sfence.sel $0xFFFF  }
0xc7: {  	[dreg:$0x0] =	wrdreg $0xFFFFFFFF;
	(pc) =	sbr.abs _section_cstart, $3  }
0xc8: {  	[dreg:$0x1] =	wrdreg $0xFFFFFFFF  }
0xc9: {  	_ =	task.clear_ibuf [dreg:s9], $0x2FFFF;
	_ =	strace $0x9FFFFFFF  }
0xca: {  	(tm) =	ssettm $0x7FFFFFFF  }
0xcb: {  	_ =	shalt  }
tec
execute0_lowered:
.L_overlay_start_1:
0x0: {  	(tag) =	ssettag $0x1  }
0x1: {  	s0 =	rddreg [dreg:$0x0]  }
0x2: {  	s2 =	rddreg [dreg:$0x1]  }
0x3: {  	s1 =	rddreg [dreg:$0x2]  }
0x4: {  	s3 =	simm.s32 $0x0;
	s10 =	stileid.u32;
	s4 =	srdreg.scid  }
0x5: {  	s16 =	simm.s32 $0x100;
	s15 =	simm.s32 $0x8100;
	s29 =	simm.s32 $0x1  }
0x6: {  	s30 =	simm.s32 $0x3;
	s31 =	simm.s32 $0x2;
	s18 =	simm.s32 $0x9900  }
0x7: {  	s19 =	simm.s32 $0xA100;
	s20 =	simm.s32 $0xA900;
	s28 =	simm.s32 $0xE100  }
0x8: {  	s17 =	simm.s32 $0xF900;
	[smem:$0x7FF] =	sst s3;
	s5 =	sshll.u32 s10, $0x1  }
0x9: {  	s4 =	sand.u32 $0x1, s4;
	s8 =	sshrl.u32 s10, $0x3;
	s22 =	sand.u32 $0x7, s10  }
0xa: {  	s10 =	sadd.s32 $0x600, s2;
	s11 =	sadd.s32 $0x700, s2;
	s5 =	sand.u32 $0xE, s5  }
0xb: {  	s6 =	ssub.s32 $0x2, s4;
	s21 =	sshll.u32 s8, $0x4;
	_ =	strace $0x80000047  }
0xc: {  	s14 =	sshll.u32 s8, $0x17;
	s8 =	sadd.s32 $0x400, s2;
	s12 =	sor.u32 s4, s5  }
0xd: {  	s7 =	sshrl.u32 s6, $0x1;
	s0 =	sadd.s32 s0, s21;
	s5 =	sadd.s32 $0x100, s2  }
0xe: {  	s4 =	sshll.u32 s4, $0x13;
	s21 =	simm.s32 $0xB100;
	s9 =	sshll.u32 s12, $0x6  }
0xf: {  	s13 =	ssub.s32 s6, s7;
	s6 =	sadd.s32 $0x200, s2;
	s7 =	sadd.s32 $0x300, s2  }
0x10: {  	s23 =	sshll.u32 s12, $0x13;
	s0 =	sadd.s32 s9, s0;
	s9 =	sadd.s32 $0x500, s2  }
0x11: {  	s26 =	smax.u32 s13, $0x1;
	[dreg:$0x6] =	wrdreg s0;
	s0 =	sshll.u32 s22, $0x14  }
0x12: {  	s13 =	simm.s32 $0x900;
	[dreg:$0x9] =	wrdreg s26;
	s0 =	sor.u32 s0, s14  }
0x13: {  	s22 =	simm.s32 $0xB900;
	s0 =	sor.u32 s4, s0;
	s4 =	sor.u32 s14, s23  }
0x14: {  	s26 =	simm.s32 $0xD900;
	s24 =	sor.u32 $0x10000, s0;
	s4 =	sshrl.u32 s4, $0x3  }
0x15: {  	s23 =	simm.s32 $0xC100;
	s12 =	sshrl.u32 s24, $0x3;
	s4 =	sadd.s32 s1, s4  }
0x16: {  	s0 =	sor.u32 $0x8000, s0;
	s12 =	sadd.s32 s12, s1;
	[dreg:$0x7] =	wrdreg s4  }
0x17: {  	s0 =	sshrl.u32 s0, $0x3;
	s25 =	sadd.s32 $0xF000, s4;
	[dreg:$0x4] =	wrdreg s12  }
0x18: {  	v2 =	vlaneseq.u32;
	s14 =	simm.s32 $0xE900;
	s0 =	sadd.s32 s0, s1;
	[dreg:$0x8] =	wrdreg s25  }
0x19: {  	vm0 =	vmmov $0xffff;
	v1 =	vshrl.u32 v2, $0x3;
	s24 =	simm.s32 $0xC900;
	s4 =	simm.s32 $0x0;
	[dreg:$0x5] =	wrdreg s0  }
0x1a: {  	v0 =	vand.u32 $0x7, v2;
	v2 =	vor.u32 $0x8, v2;
	v1 =	vmul.u32 $0x8, v1;
	s0 =	simm.s32 $0x4;
	s25 =	simm.s32 $0xD100;
	s12 =	simm.s32 $0xF100  }
.LBB2_1:
0x1b: {  	[dreg:$0xa] =	wrdreg s4  }
0x1c: {  	s1 =	rddreg [dreg:$0x6];
	s4 =	simm.s32 $0x80  }
0x1d: {  	[tilespmem:s3], [sflag:$0x5] =	stream.strided.gather [hbm4b:s1+s4], $0x100, s16, s4, $0x38;
	[tilespmem:$0x10100] =	vst v63  }
0x1e: {  	s4 =	simm.s32 $0x5  }
0x1f: {  	_ =	swait.ge [sflag:s4], $0x100  }
0x20: {  	[sflag:s4] =	ssyncset.done $0x0  }
0x21: {  	[sflag:s4] =	ssyncadd.s32 $0xFFFFFF00  }
0x22: {  	v3 =	vld [tilespmem:$0x0];
	_ =	sdelay $0x4  }
0x23: {  	v4 =	vshll.u32 v3, $0x4  }
0x24: {  	v3 =	vand.u32 $0x7, v3;
	v4 =	vand.u32 $0xFFFFFF80, v4  }
0x25: {  	v3 =	vor.u32 v3, v4  }
0x26: {  	v4 =	vperm.xlane v3, v0;
	_ =	sdelay $0x1  }
0x27: {  	v4 =	vadd.s32 v1, v4;
	_ =	sdelay $0x4  }
0x28: {  	[tilespmem:s16], [sflag:$0x1] =	stream.indirect_vreg.gather [hbm4b:s2+s3], $0x80, v4, vm0, $0xb8;
	[tilespmem:$0x10100] =	vst v63  }
0x29: {  	_ = 	snop  }
0x2a: {  	[tilespmem:s13], [sflag:$0x1] =	stream.indirect_vreg.gather [hbm4b:s5+s3], $0x80, v4, vm0, $0xb8;
	[tilespmem:$0x10100] =	vst v63  }
0x2b: {  	s4 =	simm.s32 $0x1100  }
0x2c: {  	[tilespmem:s4], [sflag:$0x1] =	stream.indirect_vreg.gather [hbm4b:s6+s3], $0x80, v4, vm0, $0xb8;
	[tilespmem:$0x10100] =	vst v63  }
0x2d: {  	s4 =	simm.s32 $0x1900  }
0x2e: {  	[tilespmem:s4], [sflag:$0x1] =	stream.indirect_vreg.gather [hbm4b:s7+s3], $0x80, v4, vm0, $0xb8;
	[tilespmem:$0x10100] =	vst v63  }
0x2f: {  	s4 =	simm.s32 $0x2100  }
0x30: {  	[tilespmem:s4], [sflag:$0x1] =	stream.indirect_vreg.gather [hbm4b:s8+s3], $0x80, v4, vm0, $0xb8;
	[tilespmem:$0x10100] =	vst v63  }
0x31: {  	v3 =	vperm.xlane v3, v2;
	s4 =	simm.s32 $0x2900  }
0x32: {  	[tilespmem:s4], [sflag:$0x1] =	stream.indirect_vreg.gather [hbm4b:s9+s3], $0x80, v4, vm0, $0xb8;
	[tilespmem:$0x10100] =	vst v63  }
0x33: {  	v3 =	vadd.s32 v1, v3;
	s4 =	simm.s32 $0x3100  }
0x34: {  	[tilespmem:s4], [sflag:$0x1] =	stream.indirect_vreg.gather [hbm4b:s10+s3], $0x80, v4, vm0, $0xb8;
	[tilespmem:$0x10100] =	vst v63  }
0x35: {  	s4 =	simm.s32 $0x3900  }
0x36: {  	[tilespmem:s4], [sflag:$0x1] =	stream.indirect_vreg.gather [hbm4b:s11+s3], $0x80, v4, vm0, $0xb8;
	[tilespmem:$0x10100] =	vst v63  }
0x37: {  	s4 =	simm.s32 $0x4100  }
0x38: {  	[tilespmem:s4], [sflag:$0x1] =	stream.indirect_vreg.gather [hbm4b:s2+s3], $0x80, v3, vm0, $0xb8;
	[tilespmem:$0x10100] =	vst v63  }
0x39: {  	s4 =	simm.s32 $0x4900  }
0x3a: {  	[tilespmem:s4], [sflag:$0x1] =	stream.indirect_vreg.gather [hbm4b:s5+s3], $0x80, v3, vm0, $0xb8;
	[tilespmem:$0x10100] =	vst v63  }
0x3b: {  	s4 =	simm.s32 $0x5100  }
0x3c: {  	[tilespmem:s4], [sflag:$0x1] =	stream.indirect_vreg.gather [hbm4b:s6+s3], $0x80, v3, vm0, $0xb8;
	[tilespmem:$0x10100] =	vst v63  }
0x3d: {  	s4 =	simm.s32 $0x5900  }
0x3e: {  	[tilespmem:s4], [sflag:$0x1] =	stream.indirect_vreg.gather [hbm4b:s7+s3], $0x80, v3, vm0, $0xb8;
	[tilespmem:$0x10100] =	vst v63  }
0x3f: {  	s4 =	simm.s32 $0x6100  }
0x40: {  	[tilespmem:s4], [sflag:$0x1] =	stream.indirect_vreg.gather [hbm4b:s8+s3], $0x80, v3, vm0, $0xb8;
	[tilespmem:$0x10100] =	vst v63  }
0x41: {  	s4 =	simm.s32 $0x6900  }
0x42: {  	[tilespmem:s4], [sflag:$0x1] =	stream.indirect_vreg.gather [hbm4b:s9+s3], $0x80, v3, vm0, $0xb8;
	[tilespmem:$0x10100] =	vst v63  }
0x43: {  	s4 =	simm.s32 $0x7100  }
0x44: {  	[tilespmem:s4], [sflag:$0x1] =	stream.indirect_vreg.gather [hbm4b:s10+s3], $0x80, v3, vm0, $0xb8;
	[tilespmem:$0x10100] =	vst v63  }
0x45: {  	s4 =	simm.s32 $0x7900  }
0x46: {  	[tilespmem:s4], [sflag:$0x1] =	stream.indirect_vreg.gather [hbm4b:s11+s3], $0x80, v3, vm0, $0xb8;
	[tilespmem:$0x10100] =	vst v63  }
0x47: {  	v3 =	vld [tilespmem:$0x10];
	_ =	sdelay $0x4  }
0x48: {  	v63 =	vshll.u32 v3, $0x4  }
0x49: {  	v3 =	vand.u32 $0x7, v3;
	v4 =	vand.u32 $0xFFFFFF80, v63  }
0x4a: {  	v3 =	vor.u32 v3, v4  }
0x4b: {  	v4 =	vperm.xlane v3, v0;
	_ =	sdelay $0x1  }
0x4c: {  	v4 =	vadd.s32 v1, v4;
	_ =	sdelay $0x4  }
0x4d: {  	[tilespmem:s15], [sflag:$0x2] =	stream.indirect_vreg.gather [hbm4b:s2+s3], $0x80, v4, vm0, $0xb8;
	[tilespmem:$0x10100] =	vst v63  }
0x4e: {  	s4 =	simm.s32 $0x8900  }
0x4f: {  	[tilespmem:s4], [sflag:$0x2] =	stream.indirect_vreg.gather [hbm4b:s5+s3], $0x80, v4, vm0, $0xb8;
	[tilespmem:$0x10100] =	vst v63  }
0x50: {  	s4 =	simm.s32 $0x9100  }
0x51: {  	[tilespmem:s4], [sflag:$0x2] =	stream.indirect_vreg.gather [hbm4b:s6+s3], $0x80, v4, vm0, $0xb8;
	[tilespmem:$0x10100] =	vst v63  }
0x52: {  	_ = 	snop  }
0x53: {  	[tilespmem:s18], [sflag:$0x2] =	stream.indirect_vreg.gather [hbm4b:s7+s3], $0x80, v4, vm0, $0xb8;
	[tilespmem:$0x10100] =	vst v63  }
0x54: {  	_ = 	snop  }
0x55: {  	[tilespmem:s19], [sflag:$0x2] =	stream.indirect_vreg.gather [hbm4b:s8+s3], $0x80, v4, vm0, $0xb8;
	[tilespmem:$0x10100] =	vst v63  }
0x56: {  	v3 =	vperm.xlane v3, v2  }
0x57: {  	[tilespmem:s20], [sflag:$0x2] =	stream.indirect_vreg.gather [hbm4b:s9+s3], $0x80, v4, vm0, $0xb8;
	[tilespmem:$0x10100] =	vst v63  }
0x58: {  	v3 =	vadd.s32 v1, v3  }
0x59: {  	[tilespmem:s21], [sflag:$0x2] =	stream.indirect_vreg.gather [hbm4b:s10+s3], $0x80, v4, vm0, $0xb8;
	[tilespmem:$0x10100] =	vst v63  }
0x5a: {  	_ = 	snop  }
0x5b: {  	[tilespmem:s22], [sflag:$0x2] =	stream.indirect_vreg.gather [hbm4b:s11+s3], $0x80, v4, vm0, $0xb8;
	[tilespmem:$0x10100] =	vst v63  }
0x5c: {  	_ = 	snop  }
0x5d: {  	[tilespmem:s23], [sflag:$0x2] =	stream.indirect_vreg.gather [hbm4b:s2+s3], $0x80, v3, vm0, $0xb8;
	[tilespmem:$0x10100] =	vst v63  }
0x5e: {  	_ = 	snop  }
0x5f: {  	[tilespmem:s24], [sflag:$0x2] =	stream.indirect_vreg.gather [hbm4b:s5+s3], $0x80, v3, vm0, $0xb8;
	[tilespmem:$0x10100] =	vst v63  }
0x60: {  	_ = 	snop  }
0x61: {  	[tilespmem:s25], [sflag:$0x2] =	stream.indirect_vreg.gather [hbm4b:s6+s3], $0x80, v3, vm0, $0xb8;
	[tilespmem:$0x10100] =	vst v63  }
0x62: {  	_ = 	snop  }
0x63: {  	[tilespmem:s26], [sflag:$0x2] =	stream.indirect_vreg.gather [hbm4b:s7+s3], $0x80, v3, vm0, $0xb8;
	[tilespmem:$0x10100] =	vst v63  }
0x64: {  	_ = 	snop  }
0x65: {  	[tilespmem:s28], [sflag:$0x2] =	stream.indirect_vreg.gather [hbm4b:s8+s3], $0x80, v3, vm0, $0xb8;
	[tilespmem:$0x10100] =	vst v63  }
0x66: {  	_ = 	snop  }
0x67: {  	[tilespmem:s14], [sflag:$0x2] =	stream.indirect_vreg.gather [hbm4b:s9+s3], $0x80, v3, vm0, $0xb8;
	[tilespmem:$0x10100] =	vst v63  }
0x68: {  	_ = 	snop  }
0x69: {  	[tilespmem:s12], [sflag:$0x2] =	stream.indirect_vreg.gather [hbm4b:s10+s3], $0x80, v3, vm0, $0xb8;
	[tilespmem:$0x10100] =	vst v63  }
0x6a: {  	_ = 	snop  }
0x6b: {  	[tilespmem:s17], [sflag:$0x2] =	stream.indirect_vreg.gather [hbm4b:s11+s3], $0x80, v3, vm0, $0xb8;
	[tilespmem:$0x10100] =	vst v63  }
0x6c: {  	_ =	swait.ge [sflag:s29], $0x8000  }
0x6d: {  	[sflag:s29] =	ssyncset.done $0x0  }
0x6e: {  	s4 =	rddreg [dreg:$0x7];
	[sflag:s29] =	ssyncadd.s32 $0xFFFF8000  }
0x6f: {  	[hbm4b:s4+s3] =	stream.linear.scatter [tilespmem:s16], [sflag:$0x3], $0x8000, $0x38;
	[tilespmem:$0x10100] =	vst v63  }
0x70: {  	s1 =	simm.s32 $0x30;
	s4 =	simm.s32 $0x0  }
.LBB2_2:
0x71: {  	_ =	swait.ge [sflag:s30], $0x8000  }
0x72: {  	[sflag:s30] =	ssyncset.done $0x0  }
0x73: {  	[sflag:s30] =	ssyncadd.s32 $0xFFFF8000  }
0x74: {  	v3 =	vld [tilespmem:s1+$0xFFFFFFF0];
	_ =	sdelay $0x4  }
0x75: {  	v4 =	vshll.u32 v3, $0x4  }
0x76: {  	v3 =	vand.u32 $0x7, v3;
	v4 =	vand.u32 $0xFFFFFF80, v4  }
0x77: {  	v3 =	vor.u32 v3, v4  }
0x78: {  	v4 =	vperm.xlane v3, v0;
	_ =	sdelay $0x1  }
0x79: {  	v4 =	vadd.s32 v1, v4;
	_ =	sdelay $0x4  }
0x7a: {  	[tilespmem:s16], [sflag:$0x1] =	stream.indirect_vreg.gather [hbm4b:s2+s3], $0x80, v4, vm0, $0xb8;
	[tilespmem:$0x10100] =	vst v63  }
0x7b: {  	_ = 	snop  }
0x7c: {  	[tilespmem:s13], [sflag:$0x1] =	stream.indirect_vreg.gather [hbm4b:s5+s3], $0x80, v4, vm0, $0xb8;
	[tilespmem:$0x10100] =	vst v63  }
0x7d: {  	s13 =	simm.s32 $0x1100  }
0x7e: {  	[tilespmem:s13], [sflag:$0x1] =	stream.indirect_vreg.gather [hbm4b:s6+s3], $0x80, v4, vm0, $0xb8;
	[tilespmem:$0x10100] =	vst v63  }
0x7f: {  	s13 =	simm.s32 $0x1900  }
0x80: {  	[tilespmem:s13], [sflag:$0x1] =	stream.indirect_vreg.gather [hbm4b:s7+s3], $0x80, v4, vm0, $0xb8;
	[tilespmem:$0x10100] =	vst v63  }
0x81: {  	s13 =	simm.s32 $0x2100  }
0x82: {  	[tilespmem:s13], [sflag:$0x1] =	stream.indirect_vreg.gather [hbm4b:s8+s3], $0x80, v4, vm0, $0xb8;
	[tilespmem:$0x10100] =	vst v63  }
0x83: {  	v3 =	vperm.xlane v3, v2;
	s13 =	simm.s32 $0x2900  }
0x84: {  	[tilespmem:s13], [sflag:$0x1] =	stream.indirect_vreg.gather [hbm4b:s9+s3], $0x80, v4, vm0, $0xb8;
	[tilespmem:$0x10100] =	vst v63  }
0x85: {  	v3 =	vadd.s32 v1, v3;
	s13 =	simm.s32 $0x3100  }
0x86: {  	[tilespmem:s13], [sflag:$0x1] =	stream.indirect_vreg.gather [hbm4b:s10+s3], $0x80, v4, vm0, $0xb8;
	[tilespmem:$0x10100] =	vst v63  }
0x87: {  	s13 =	simm.s32 $0x3900  }
0x88: {  	[tilespmem:s13], [sflag:$0x1] =	stream.indirect_vreg.gather [hbm4b:s11+s3], $0x80, v4, vm0, $0xb8;
	[tilespmem:$0x10100] =	vst v63  }
0x89: {  	s13 =	simm.s32 $0x4100  }
0x8a: {  	[tilespmem:s13], [sflag:$0x1] =	stream.indirect_vreg.gather [hbm4b:s2+s3], $0x80, v3, vm0, $0xb8;
	[tilespmem:$0x10100] =	vst v63  }
0x8b: {  	s13 =	simm.s32 $0x4900  }
0x8c: {  	[tilespmem:s13], [sflag:$0x1] =	stream.indirect_vreg.gather [hbm4b:s5+s3], $0x80, v3, vm0, $0xb8;
	[tilespmem:$0x10100] =	vst v63  }
0x8d: {  	s13 =	simm.s32 $0x5100  }
0x8e: {  	[tilespmem:s13], [sflag:$0x1] =	stream.indirect_vreg.gather [hbm4b:s6+s3], $0x80, v3, vm0, $0xb8;
	[tilespmem:$0x10100] =	vst v63  }
0x8f: {  	s13 =	simm.s32 $0x5900  }
0x90: {  	[tilespmem:s13], [sflag:$0x1] =	stream.indirect_vreg.gather [hbm4b:s7+s3], $0x80, v3, vm0, $0xb8;
	[tilespmem:$0x10100] =	vst v63  }
0x91: {  	s13 =	simm.s32 $0x6100  }
0x92: {  	[tilespmem:s13], [sflag:$0x1] =	stream.indirect_vreg.gather [hbm4b:s8+s3], $0x80, v3, vm0, $0xb8;
	[tilespmem:$0x10100] =	vst v63  }
0x93: {  	s13 =	simm.s32 $0x6900  }
0x94: {  	[tilespmem:s13], [sflag:$0x1] =	stream.indirect_vreg.gather [hbm4b:s9+s3], $0x80, v3, vm0, $0xb8;
	[tilespmem:$0x10100] =	vst v63  }
0x95: {  	s13 =	simm.s32 $0x7100  }
0x96: {  	[tilespmem:s13], [sflag:$0x1] =	stream.indirect_vreg.gather [hbm4b:s10+s3], $0x80, v3, vm0, $0xb8;
	[tilespmem:$0x10100] =	vst v63  }
0x97: {  	s13 =	simm.s32 $0x7900  }
0x98: {  	[tilespmem:s13], [sflag:$0x1] =	stream.indirect_vreg.gather [hbm4b:s11+s3], $0x80, v3, vm0, $0xb8;
	[tilespmem:$0x10100] =	vst v63  }
0x99: {  	_ =	swait.ge [sflag:s31], $0x8000  }
0x9a: {  	s13 =	rddreg [dreg:$0x5];
	[sflag:s31] =	ssyncset.done $0x0  }
0x9b: {  	[sflag:s31] =	ssyncadd.s32 $0xFFFF8000;
	s13 =	sadd.s32 s4, s13  }
0x9c: {  	[hbm4b:s13+s3] =	stream.linear.scatter [tilespmem:s15], [sflag:$0x4], $0x8000, $0x38;
	[tilespmem:$0x10100] =	vst v63  }
0x9d: {  	_ =	swait.ge [sflag:s0], $0x8000  }
0x9e: {  	[sflag:s0] =	ssyncset.done $0x0  }
0x9f: {  	[sflag:s0] =	ssyncadd.s32 $0xFFFF8000  }
0xa0: {  	v3 =	vld [tilespmem:s1+$0x0];
	_ =	sdelay $0x4  }
0xa1: {  	v63 =	vshll.u32 v3, $0x4  }
0xa2: {  	v3 =	vand.u32 $0x7, v3;
	v4 =	vand.u32 $0xFFFFFF80, v63  }
0xa3: {  	v3 =	vor.u32 v3, v4  }
0xa4: {  	v4 =	vperm.xlane v3, v0;
	_ =	sdelay $0x1  }
0xa5: {  	v4 =	vadd.s32 v1, v4;
	_ =	sdelay $0x4  }
0xa6: {  	[tilespmem:s15], [sflag:$0x2] =	stream.indirect_vreg.gather [hbm4b:s2+s3], $0x80, v4, vm0, $0xb8;
	[tilespmem:$0x10100] =	vst v63  }
0xa7: {  	s13 =	simm.s32 $0x8900  }
0xa8: {  	[tilespmem:s13], [sflag:$0x2] =	stream.indirect_vreg.gather [hbm4b:s5+s3], $0x80, v4, vm0, $0xb8;
	[tilespmem:$0x10100] =	vst v63  }
0xa9: {  	s13 =	simm.s32 $0x9100  }
0xaa: {  	[tilespmem:s13], [sflag:$0x2] =	stream.indirect_vreg.gather [hbm4b:s6+s3], $0x80, v4, vm0, $0xb8;
	[tilespmem:$0x10100] =	vst v63  }
0xab: {  	_ = 	snop  }
0xac: {  	[tilespmem:s18], [sflag:$0x2] =	stream.indirect_vreg.gather [hbm4b:s7+s3], $0x80, v4, vm0, $0xb8;
	[tilespmem:$0x10100] =	vst v63  }
0xad: {  	_ = 	snop  }
0xae: {  	[tilespmem:s19], [sflag:$0x2] =	stream.indirect_vreg.gather [hbm4b:s8+s3], $0x80, v4, vm0, $0xb8;
	[tilespmem:$0x10100] =	vst v63  }
0xaf: {  	v3 =	vperm.xlane v3, v2  }
0xb0: {  	[tilespmem:s20], [sflag:$0x2] =	stream.indirect_vreg.gather [hbm4b:s9+s3], $0x80, v4, vm0, $0xb8;
	[tilespmem:$0x10100] =	vst v63  }
0xb1: {  	v3 =	vadd.s32 v1, v3  }
0xb2: {  	[tilespmem:s21], [sflag:$0x2] =	stream.indirect_vreg.gather [hbm4b:s10+s3], $0x80, v4, vm0, $0xb8;
	[tilespmem:$0x10100] =	vst v63  }
0xb3: {  	_ = 	snop  }
0xb4: {  	[tilespmem:s22], [sflag:$0x2] =	stream.indirect_vreg.gather [hbm4b:s11+s3], $0x80, v4, vm0, $0xb8;
	[tilespmem:$0x10100] =	vst v63  }
0xb5: {  	_ = 	snop  }
0xb6: {  	[tilespmem:s23], [sflag:$0x2] =	stream.indirect_vreg.gather [hbm4b:s2+s3], $0x80, v3, vm0, $0xb8;
	[tilespmem:$0x10100] =	vst v63  }
0xb7: {  	_ = 	snop  }
0xb8: {  	[tilespmem:s24], [sflag:$0x2] =	stream.indirect_vreg.gather [hbm4b:s5+s3], $0x80, v3, vm0, $0xb8;
	[tilespmem:$0x10100] =	vst v63  }
0xb9: {  	_ = 	snop  }
0xba: {  	[tilespmem:s25], [sflag:$0x2] =	stream.indirect_vreg.gather [hbm4b:s6+s3], $0x80, v3, vm0, $0xb8;
	[tilespmem:$0x10100] =	vst v63  }
0xbb: {  	_ = 	snop  }
0xbc: {  	[tilespmem:s26], [sflag:$0x2] =	stream.indirect_vreg.gather [hbm4b:s7+s3], $0x80, v3, vm0, $0xb8;
	[tilespmem:$0x10100] =	vst v63  }
0xbd: {  	_ = 	snop  }
0xbe: {  	[tilespmem:s28], [sflag:$0x2] =	stream.indirect_vreg.gather [hbm4b:s8+s3], $0x80, v3, vm0, $0xb8;
	[tilespmem:$0x10100] =	vst v63  }
0xbf: {  	_ = 	snop  }
0xc0: {  	[tilespmem:s14], [sflag:$0x2] =	stream.indirect_vreg.gather [hbm4b:s9+s3], $0x80, v3, vm0, $0xb8;
	[tilespmem:$0x10100] =	vst v63  }
0xc1: {  	_ = 	snop  }
0xc2: {  	[tilespmem:s12], [sflag:$0x2] =	stream.indirect_vreg.gather [hbm4b:s10+s3], $0x80, v3, vm0, $0xb8;
	[tilespmem:$0x10100] =	vst v63  }
0xc3: {  	p0 =	sne.s32 s4, $0xC000  }
0xc4: {  	[tilespmem:s17], [sflag:$0x2] =	stream.indirect_vreg.gather [hbm4b:s11+s3], $0x80, v3, vm0, $0xb8;
	[tilespmem:$0x10100] =	vst v63  }
.Ltmp0:
0xc5: {  	_ =	swait.ge [sflag:s29], $0x8000;
	(pc) =	sbr.rel @p0 .LBB2_2-.Ltmp0, $4  }
0xc6: {  	s13 =	rddreg [dreg:$0x4];
	[sflag:s29] =	ssyncset.done $0x0  }
0xc7: {  	[sflag:s29] =	ssyncadd.s32 $0xFFFF8000;
	s13 =	sadd.s32 s4, s13  }
0xc8: {  	[hbm4b:s13+s3] =	stream.linear.scatter [tilespmem:s16], [sflag:$0x3], $0x8000, $0x38;
	[tilespmem:$0x10100] =	vst v63  }
0xc9: {  	s1 =	sadd.s32 $0x20, s1;
	s4 =	sadd.s32 $0x2000, s4;
	s13 =	simm.s32 $0x900  }
0xca: {  	_ =	swait.ge [sflag:s31], $0x8000  }
0xcb: {  	[sflag:s31] =	ssyncset.done $0x0  }
0xcc: {  	s1 =	rddreg [dreg:$0x8];
	[sflag:s31] =	ssyncadd.s32 $0xFFFF8000  }
0xcd: {  	[hbm4b:s1+s3] =	stream.linear.scatter [tilespmem:s15], [sflag:$0x4], $0x8000, $0x38;
	[tilespmem:$0x10100] =	vst v63  }
0xce: {  	_ =	swait.ge [sflag:s30], $0x8000  }
0xcf: {  	[sflag:s30] =	ssyncset.done $0x0  }
0xd0: {  	[sflag:s30] =	ssyncadd.s32 $0xFFFF8000  }
0xd1: {  	_ =	swait.ge [sflag:s0], $0x8000  }
0xd2: {  	s4 =	rddreg [dreg:$0xa]  }
0xd3: {  	s1 =	rddreg [dreg:$0x9];
	s4 =	sadd.s32 $0x1, s4  }
0xd4: {  	p0 =	sne.s32 s4, s1  }
.Ltmp1:
0xd5: {  	_ = 	snop;
	(pc) =	sbr.rel @p0 .LBB2_1-.Ltmp1, $3  }
0xd6: {  	_ =	sdelay $0x1  }
0xd7: {  	[sflag:s0] =	ssyncset.done $0x0  }
0xd8: {  	[sflag:s0] =	ssyncadd.s32 $0xFFFF8000  }
0xd9: {  	_ =	sfence.sel $0x180000  }
0xda: {  	[bflag:$0x0] =	sbarrier.arrive $0xFFFF  }
0xdb: {  	_ =	strace $0x90000047  }
0xdc: {  	s0 =	stileid.u32;
	[bflag:$0x2] =	sbarrier.arrive $0xFFFF  }
0xdd: {  	p0 =	sne.s32 s0, $0x0;
	s0 =	rddreg [dreg:$0x3]  }
0xde: {  	s0 =	sadd.s32 @!p0 $0x100000, s0  }
0xdf: {  	[sflag:s0] =	ssyncadd.tile.s32 @!p0 $0x1;
	_ =	shalt  }
.Lfunc_end2:
_tile_overlayer_lowered:
.L_overlay_start_2:
0xe0: {  	(tag) =	ssettag $0x2  }
0xe1: {  	s0 =	rddreg [dreg:$0x0];
	s2 =	stileid.u32  }
0xe2: {  	s1 =	rddreg [dreg:$0x1];
	p0 =	sne.s32 s2, $0x0  }
0xe3: {  	s3 =	rddreg [dreg:$0x2];
	[bflag:$0x3] =	sbarrier.arrive $0xFFFF;
	s2 =	simm.s32 @!p0 $0x1C05  }
0xe4: {  	[timem:s3], [sflag:s2] =	dma.local @!p0 [hbm:s0], s1  }
0xe5: {  	s0 =	simm.s32 @!p0 $0x5  }
0xe6: {  	_ =	swait.ge @!p0 [sflag:s0], s1  }
0xe7: {  	s1 =	ssub.s32 @!p0 $0x0, s1;
	[sflag:s0] =	ssyncset.done @!p0 $0x0  }
0xe8: {  	[sflag:s0] =	ssyncadd.s32 @!p0 s1  }
0xe9: {  	[bflag:$0x3] =	sbarrier.arrive $0xFFFF  }
0xea: {  	_ =	shalt  }

</sc_bundles>
